<compile_context>
chip_gen: v7x
topology: tpu7x:2x2x1
jax: 0.10.2.dev20260603
libtpu: 0.0.44.dev20260713+nightly
codegen_flags: <defaults>
</compile_context>

<pallas_src>
import functools

import jax
import jax.numpy as jnp
from jax import lax
from jax.experimental import pallas as pl
from jax.experimental.pallas import tpu as pltpu
from jax.experimental.pallas import tpu_sc as plsc

B = 4
S = 2048
H = 1024
N = B * S
NC = 2
NS = 16
NW = NC * NS
ROWS_PER_W = N // NW
K = 16
NCHUNK = ROWS_PER_W // K
NV = H // 16
EPS = 1e-7


def _lane_sum(x):
    lanes = lax.iota(jnp.int32, 16)
    for d in (8, 4, 2, 1):
        x = x + x.at[lanes ^ d].get(mode="promise_in_bounds", unique_indices=True)
    return x


def _rsqrt(v):
    i = lax.bitcast_convert_type(v, jnp.int32)
    y = lax.bitcast_convert_type(jnp.int32(0x5F3759DF) - (i >> 1), jnp.float32)
    for _ in range(3):
        y = y * (1.5 - 0.5 * v * y * y)
    return y


def _sc_embed(ids, mask, word_table, pos_table, gamma, beta):
    mesh = plsc.VectorSubcoreMesh(core_axis_name="c", subcore_axis_name="s")

    @functools.partial(
        pl.kernel,
        mesh=mesh,
        out_type=jax.ShapeDtypeStruct((N, H), jnp.float32),
        scratch_types=[
            pltpu.VMEM((ROWS_PER_W,), jnp.int32),
            pltpu.VMEM((K, H), jnp.float32),
            pltpu.VMEM((K, H), jnp.float32),
            pltpu.VMEM((K,), jnp.float32),
            pltpu.VMEM((H,), jnp.float32),
            pltpu.VMEM((H,), jnp.float32),
            pltpu.SemaphoreType.DMA,
        ],
    )
    def k(ids_hbm, mask_hbm, word_hbm, pos_hbm, gamma_hbm, beta_hbm, out_hbm,
          idx_v, x_v, pos_v, mask_v, gamma_v, beta_v, sem):
        wid = lax.axis_index("s") * NC + lax.axis_index("c")
        base = wid * ROWS_PER_W
        pos_base = lax.rem(base, S)

        pltpu.sync_copy(ids_hbm.at[pl.ds(base, ROWS_PER_W)], idx_v)
        pltpu.sync_copy(gamma_hbm, gamma_v)
        pltpu.sync_copy(beta_hbm, beta_v)

        def chunk_body(c, carry):
            off = c * K
            pltpu.async_copy(
                word_hbm.at[idx_v.at[pl.ds(off, K)]], x_v, sem).wait()
            pltpu.sync_copy(pos_hbm.at[pl.ds(pos_base + off, K)], pos_v)
            pltpu.sync_copy(mask_hbm.at[pl.ds(base + off, K)], mask_v)

            m_all = mask_v[...]

            def row_body(r, _):
                def sum_body(j, sc):
                    s1, s2 = sc
                    t = x_v[r, pl.ds(j * 16, 16)] + pos_v[r, pl.ds(j * 16, 16)]
                    x_v[r, pl.ds(j * 16, 16)] = t
                    return (s1 + t, s2 + t * t)

                z = jnp.zeros((16,), jnp.float32)
                s1, s2 = lax.fori_loop(0, NV, sum_body, (z, z))
                mu_v = _lane_sum(s1) * (1.0 / H)
                var = _lane_sum(s2) * (1.0 / H) - mu_v * mu_v
                a = _rsqrt(var + EPS)
                m = m_all.at[jnp.full((16,), r, jnp.int32)].get(
                    mode="promise_in_bounds")
                am = a * m

                def norm_body(j, _):
                    t = x_v[r, pl.ds(j * 16, 16)]
                    g = gamma_v[pl.ds(j * 16, 16)]
                    bb = beta_v[pl.ds(j * 16, 16)]
                    x_v[r, pl.ds(j * 16, 16)] = (t - mu_v) * am * g + bb * m
                    return 0

                lax.fori_loop(0, NV, norm_body, 0)
                return 0

            lax.fori_loop(0, K, row_body, 0)
            pltpu.sync_copy(x_v, out_hbm.at[pl.ds(base + off, K)])
            return carry

        lax.fori_loop(0, NCHUNK, chunk_body, 0)

    return k(ids, mask, word_table, pos_table, gamma, beta)


def kernel(input_ids, mask, word_table, pos_table, gamma, beta):
    ids = input_ids.reshape(N).astype(jnp.int32)
    mask_flat = mask.reshape(N).astype(jnp.float32)
    out = _sc_embed(ids, mask_flat, word_table, pos_table, gamma, beta)
    return out.reshape(B, S, H)

# --- scband reference (transcript-rebuilt; emitter-appended) ---
"""Pipeline reference for scband-deberta-v2-embeddings-41034117546294 (READ-ONLY COPY).

The authoritative reference and input builder live on the scoring server;
editing this copy changes nothing except your own understanding.
"""

import jax, jax.numpy as jnp
import numpy as np

VOCAB = 128100
HID = 1024
MAX_POS = 2048
B = 4
S = 2048
EPS = 1e-7


def setup_inputs(seed: int = 0) -> dict:
    key = jax.random.key(seed)
    k1, k2, k3, k4 = jax.random.split(key, 4)
    input_ids = jax.random.randint(k1, (B, S), 0, VOCAB, dtype=jnp.int64 if jax.config.jax_enable_x64 else jnp.int32)
    mask = jnp.ones((B, S), dtype=jnp.float32)
    word_table = jax.random.normal(k2, (VOCAB, HID), dtype=jnp.float32) * 0.02
    # padding_idx=0 -> row 0 is zero, as in nn.Embedding(padding_idx=0)
    word_table = word_table.at[0].set(0.0)
    pos_table = jax.random.normal(k3, (MAX_POS, HID), dtype=jnp.float32) * 0.02
    gamma = jnp.ones((HID,), dtype=jnp.float32)
    beta = jnp.zeros((HID,), dtype=jnp.float32)
    return {"input_ids": input_ids, "mask": mask, "word_table": word_table,
            "pos_table": pos_table, "gamma": gamma, "beta": beta}


def reference(input_ids, mask, word_table, pos_table, gamma, beta):
    # word embedding lookup
    x = jnp.take(word_table, input_ids, axis=0)            # [B, S, H]
    # absolute position embeddings: position_ids = arange(MAX_POS)[None]
    pos = jnp.take(pos_table, jnp.arange(S), axis=0)       # [S, H]
    x = x + pos[None, :, :]
    # LayerNorm over last dim
    mu = jnp.mean(x, axis=-1, keepdims=True)
    var = jnp.mean((x - mu) ** 2, axis=-1, keepdims=True)
    xn = (x - mu) / jnp.sqrt(var + EPS)
    emb = xn * gamma + beta
    # mask broadcast over hidden dim
    emb = emb * mask[:, :, None].astype(emb.dtype)
    # dropout is identity in eval mode
    return emb

if __name__ == "__main__":
    import jax
    _d = setup_inputs()
    print(jax.jit(kernel)(*tuple(_d.values())))

</pallas_src>

<mosaic_0001>
#map = affine_map<(d0, d1) -> (0)>
#map1 = affine_map<(d0, d1) -> (0, 0)>
module attributes {stable_mosaic.version = 14 : i64} {
  func.func @k(%arg0: i32, %arg1: i32, %arg2: memref<8192xi32, #tpu.memory_space<hbm>>, %arg3: memref<8192xf32, #tpu.memory_space<hbm>>, %arg4: memref<128100x1024xf32, #tpu.memory_space<hbm>>, %arg5: memref<2048x1024xf32, #tpu.memory_space<hbm>>, %arg6: memref<1024xf32, #tpu.memory_space<hbm>>, %arg7: memref<1024xf32, #tpu.memory_space<hbm>>, %arg8: memref<8192x1024xf32, #tpu.memory_space<hbm>>, %arg9: memref<256xi32, #tpu.memory_space<vmem>>, %arg10: memref<16x1024xf32, #tpu.memory_space<vmem>>, %arg11: memref<16x1024xf32, #tpu.memory_space<vmem>>, %arg12: memref<16xf32, #tpu.memory_space<vmem>>, %arg13: memref<1024xf32, #tpu.memory_space<vmem>>, %arg14: memref<1024xf32, #tpu.memory_space<vmem>>, %arg15: memref<!tpu.dma_semaphore, #tpu.memory_space<semaphore_mem>>) attributes {dimension_semantics = [#tpu.dimension_semantics<core_parallel>, #tpu.dimension_semantics<subcore_parallel>], iteration_bounds = array<i64: 2, 16>, scalar_prefetch = 0 : i64, scratch_operands = 7 : i64, tpu.core_type = #tpu.core_type<sc_vector_subcore>, window_params = [{transform_indices = #map}, {transform_indices = #map}, {transform_indices = #map1}, {transform_indices = #map1}, {transform_indices = #map}, {transform_indices = #map}, {transform_indices = #map1}]} {
    %mul3A = arith.constant 2 : i32
    %mul3A_0 = arith.muli %arg1, %mul3A : i32
    %add3A = arith.addi %mul3A_0, %arg0 : i32
    %mul3A_1 = arith.constant 256 : i32
    %mul3A_2 = arith.muli %add3A, %mul3A_1 : i32
    %rem3A = arith.constant 2048 : i32
    %rem3A_3 = arith.remsi %mul3A_2, %rem3A : i32
    "tpu.region"() ({
      %run_scoped3A = tpu.sem_alloc : memref<!tpu.dma_semaphore, #tpu.memory_space<semaphore_mem>>
      %dma_start3A = tpu.memref_slice %arg2[%mul3A_2] : memref<8192xi32, #tpu.memory_space<hbm>> -> memref<256xi32, #tpu.memory_space<hbm>>
      %dma_start3A_9 = tpu.memref_slice %arg2[%mul3A_2] : memref<8192xi32, #tpu.memory_space<hbm>> -> memref<256xi32, #tpu.memory_space<hbm>>
      tpu.enqueue_dma source(%dma_start3A_9 : memref<256xi32, #tpu.memory_space<hbm>>) target(%arg9 : memref<256xi32, #tpu.memory_space<vmem>>) target_semaphore(%run_scoped3A : memref<!tpu.dma_semaphore, #tpu.memory_space<semaphore_mem>>)
      %dma_wait3A = tpu.memref_slice %arg2[%mul3A_2] : memref<8192xi32, #tpu.memory_space<hbm>> -> memref<256xi32, #tpu.memory_space<hbm>>
      %dma_wait3A_10 = tpu.memref_slice %arg2[%mul3A_2] : memref<8192xi32, #tpu.memory_space<hbm>> -> memref<256xi32, #tpu.memory_space<hbm>>
      tpu.wait_dma2 semaphore(%run_scoped3A : memref<!tpu.dma_semaphore, #tpu.memory_space<semaphore_mem>>) src(%dma_wait3A_10 : memref<256xi32, #tpu.memory_space<hbm>>) dst(%arg9 : memref<256xi32, #tpu.memory_space<vmem>>)
      tpu.yield
    }) : () -> ()
    "tpu.region"() ({
      %run_scoped3A = tpu.sem_alloc : memref<!tpu.dma_semaphore, #tpu.memory_space<semaphore_mem>>
      tpu.enqueue_dma source(%arg6 : memref<1024xf32, #tpu.memory_space<hbm>>) target(%arg13 : memref<1024xf32, #tpu.memory_space<vmem>>) target_semaphore(%run_scoped3A : memref<!tpu.dma_semaphore, #tpu.memory_space<semaphore_mem>>)
      tpu.wait_dma2 semaphore(%run_scoped3A : memref<!tpu.dma_semaphore, #tpu.memory_space<semaphore_mem>>) src(%arg6 : memref<1024xf32, #tpu.memory_space<hbm>>) dst(%arg13 : memref<1024xf32, #tpu.memory_space<vmem>>)
      tpu.yield
    }) : () -> ()
    "tpu.region"() ({
      %run_scoped3A = tpu.sem_alloc : memref<!tpu.dma_semaphore, #tpu.memory_space<semaphore_mem>>
      tpu.enqueue_dma source(%arg7 : memref<1024xf32, #tpu.memory_space<hbm>>) target(%arg14 : memref<1024xf32, #tpu.memory_space<vmem>>) target_semaphore(%run_scoped3A : memref<!tpu.dma_semaphore, #tpu.memory_space<semaphore_mem>>)
      tpu.wait_dma2 semaphore(%run_scoped3A : memref<!tpu.dma_semaphore, #tpu.memory_space<semaphore_mem>>) src(%arg7 : memref<1024xf32, #tpu.memory_space<hbm>>) dst(%arg14 : memref<1024xf32, #tpu.memory_space<vmem>>)
      tpu.yield
    }) : () -> ()
    %scan3A = arith.constant 0 : i32
    %scan3A_4 = arith.constant 0 : i32
    %scan3A_5 = arith.constant 16 : i32
    %scan3A_6 = arith.addi %scan3A_4, %scan3A_5 : i32
    %scan3A_7 = arith.constant 1 : i32
    scf.for %scan3A_9 = %scan3A_4 to %scan3A_6 step %scan3A_7  : i32 {
      %mul3A_10 = arith.constant 16 : i32
      %mul3A_11 = arith.muli %scan3A_9, %mul3A_10 : i32
      %dma_start3A = tpu.memref_slice %arg9[%mul3A_11] : memref<256xi32, #tpu.memory_space<vmem>> -> memref<16xi32, #tpu.memory_space<vmem>>
      %dma_start3A_12 = arith.constant 0 : i32
      %dma_start3A_13 = arith.constant 0 : i32
      %dma_start3A_14 = tpu.memref_slice %arg4[%dma_start3A_12, %dma_start3A_13] : memref<128100x1024xf32, #tpu.memory_space<hbm>> -> memref<128100x1024xf32, #tpu.memory_space<hbm>>
      tpu.enqueue_indirect_dma source(%dma_start3A_14 : memref<128100x1024xf32, #tpu.memory_space<hbm>>) target(%arg10 : memref<16x1024xf32, #tpu.memory_space<vmem>>) offsets(%dma_start3A : memref<16xi32, #tpu.memory_space<vmem>>) semaphore(%arg15 : memref<!tpu.dma_semaphore, #tpu.memory_space<semaphore_mem>>)
      %dma_wait3A = tpu.memref_slice %arg9[%mul3A_11] : memref<256xi32, #tpu.memory_space<vmem>> -> memref<16xi32, #tpu.memory_space<vmem>>
      %dma_wait3A_15 = arith.constant 0 : i32
      %dma_wait3A_16 = arith.constant 0 : i32
      %dma_wait3A_17 = tpu.memref_slice %arg4[%dma_wait3A_15, %dma_wait3A_16] : memref<128100x1024xf32, #tpu.memory_space<hbm>> -> memref<128100x1024xf32, #tpu.memory_space<hbm>>
      tpu.wait_indirect_dma semaphore(%arg15 : memref<!tpu.dma_semaphore, #tpu.memory_space<semaphore_mem>>) src(%dma_wait3A_17 : memref<128100x1024xf32, #tpu.memory_space<hbm>>) dst(%arg10 : memref<16x1024xf32, #tpu.memory_space<vmem>>)
      %add3A_18 = arith.addi %rem3A_3, %mul3A_11 : i32
      "tpu.region"() ({
        %run_scoped3A = tpu.sem_alloc : memref<!tpu.dma_semaphore, #tpu.memory_space<semaphore_mem>>
        %dma_start3A_30 = arith.constant 0 : i32
        %dma_start3A_31 = tpu.memref_slice %arg5[%add3A_18, %dma_start3A_30] : memref<2048x1024xf32, #tpu.memory_space<hbm>> -> memref<16x1024xf32, #tpu.memory_space<hbm>>
        %dma_start3A_32 = arith.constant 0 : i32
        %dma_start3A_33 = tpu.memref_slice %arg5[%add3A_18, %dma_start3A_32] : memref<2048x1024xf32, #tpu.memory_space<hbm>> -> memref<16x1024xf32, #tpu.memory_space<hbm>>
        tpu.enqueue_dma source(%dma_start3A_33 : memref<16x1024xf32, #tpu.memory_space<hbm>>) target(%arg11 : memref<16x1024xf32, #tpu.memory_space<vmem>>) target_semaphore(%run_scoped3A : memref<!tpu.dma_semaphore, #tpu.memory_space<semaphore_mem>>)
        %dma_wait3A_34 = arith.constant 0 : i32
        %dma_wait3A_35 = tpu.memref_slice %arg5[%add3A_18, %dma_wait3A_34] : memref<2048x1024xf32, #tpu.memory_space<hbm>> -> memref<16x1024xf32, #tpu.memory_space<hbm>>
        %dma_wait3A_36 = arith.constant 0 : i32
        %dma_wait3A_37 = tpu.memref_slice %arg5[%add3A_18, %dma_wait3A_36] : memref<2048x1024xf32, #tpu.memory_space<hbm>> -> memref<16x1024xf32, #tpu.memory_space<hbm>>
        tpu.wait_dma2 semaphore(%run_scoped3A : memref<!tpu.dma_semaphore, #tpu.memory_space<semaphore_mem>>) src(%dma_wait3A_37 : memref<16x1024xf32, #tpu.memory_space<hbm>>) dst(%arg11 : memref<16x1024xf32, #tpu.memory_space<vmem>>)
        tpu.yield
      }) : () -> ()
      %add3A_19 = arith.addi %mul3A_2, %mul3A_11 : i32
      "tpu.region"() ({
        %run_scoped3A = tpu.sem_alloc : memref<!tpu.dma_semaphore, #tpu.memory_space<semaphore_mem>>
        %dma_start3A_30 = tpu.memref_slice %arg3[%add3A_19] : memref<8192xf32, #tpu.memory_space<hbm>> -> memref<16xf32, #tpu.memory_space<hbm>>
        %dma_start3A_31 = tpu.memref_slice %arg3[%add3A_19] : memref<8192xf32, #tpu.memory_space<hbm>> -> memref<16xf32, #tpu.memory_space<hbm>>
        tpu.enqueue_dma source(%dma_start3A_31 : memref<16xf32, #tpu.memory_space<hbm>>) target(%arg12 : memref<16xf32, #tpu.memory_space<vmem>>) target_semaphore(%run_scoped3A : memref<!tpu.dma_semaphore, #tpu.memory_space<semaphore_mem>>)
        %dma_wait3A_32 = tpu.memref_slice %arg3[%add3A_19] : memref<8192xf32, #tpu.memory_space<hbm>> -> memref<16xf32, #tpu.memory_space<hbm>>
        %dma_wait3A_33 = tpu.memref_slice %arg3[%add3A_19] : memref<8192xf32, #tpu.memory_space<hbm>> -> memref<16xf32, #tpu.memory_space<hbm>>
        tpu.wait_dma2 semaphore(%run_scoped3A : memref<!tpu.dma_semaphore, #tpu.memory_space<semaphore_mem>>) src(%dma_wait3A_33 : memref<16xf32, #tpu.memory_space<hbm>>) dst(%arg12 : memref<16xf32, #tpu.memory_space<vmem>>)
        tpu.yield
      }) : () -> ()
      %get3A = arith.constant 0 : index
      %get3A_20 = tpu.vector_load %arg12[%get3A] {strides = array<i32>} : memref<16xf32, #tpu.memory_space<vmem>>, vector<16xf32>,
      %get3A_21 = vector.shape_cast %get3A_20 : vector<16xf32> to vector<16xf32>
      %scan3A_22 = arith.constant 0 : i32
      %scan3A_23 = arith.constant 0 : i32
      %scan3A_24 = arith.constant 16 : i32
      %scan3A_25 = arith.addi %scan3A_23, %scan3A_24 : i32
      %scan3A_26 = arith.constant 1 : i32
      %scan3A_27 = scf.for %scan3A_30 = %scan3A_23 to %scan3A_25 step %scan3A_26 iter_args(%scan3A_31 = %scan3A_22) -> (i32)  : i32 {
        %broadcast_in_dim3A = arith.constant 0.000000e+00 : f32
        %broadcast_in_dim3A_32 = vector.broadcast %broadcast_in_dim3A : f32 to vector<16xf32>
        %scan3A_33 = arith.constant 0 : i32
        %scan3A_34 = arith.constant 64 : i32
        %scan3A_35 = arith.addi %scan3A_33, %scan3A_34 : i32
        %scan3A_36 = arith.constant 1 : i32
        %scan3A_37:2 = scf.for %scan3A_211 = %scan3A_33 to %scan3A_35 step %scan3A_36 iter_args(%scan3A_212 = %broadcast_in_dim3A_32, %scan3A_213 = %broadcast_in_dim3A_32) -> (vector<16xf32>, vector<16xf32>)  : i32 {
          %mul3A_214 = arith.constant 16 : i32
          %mul3A_215 = arith.muli %scan3A_211, %mul3A_214 : i32
          %get3A_216 = arith.index_cast %scan3A_30 : i32 to index
          %get3A_217 = arith.index_cast %mul3A_215 : i32 to index
          %get3A_218 = tpu.vector_load %arg10[%get3A_216, %get3A_217] {strides = array<i32>} : memref<16x1024xf32, #tpu.memory_space<vmem>>, vector<1x16xf32>,
          %get3A_219 = vector.shape_cast %get3A_218 : vector<1x16xf32> to vector<16xf32>
          %mul3A_220 = arith.constant 16 : i32
          %mul3A_221 = arith.muli %scan3A_211, %mul3A_220 : i32
          %get3A_222 = arith.index_cast %scan3A_30 : i32 to index
          %get3A_223 = arith.index_cast %mul3A_221 : i32 to index
          %get3A_224 = tpu.vector_load %arg11[%get3A_222, %get3A_223] {strides = array<i32>} : memref<16x1024xf32, #tpu.memory_space<vmem>>, vector<1x16xf32>,
          %get3A_225 = vector.shape_cast %get3A_224 : vector<1x16xf32> to vector<16xf32>
          %add3A_226 = arith.addf %get3A_219, %get3A_225 : vector<16xf32>
          %mul3A_227 = arith.constant 16 : i32
          %mul3A_228 = arith.muli %scan3A_211, %mul3A_227 : i32
          %swap3A = arith.index_cast %scan3A_30 : i32 to index
          %swap3A_229 = arith.index_cast %mul3A_228 : i32 to index
          %swap3A_230 = tpu.vector_load %arg10[%swap3A, %swap3A_229] {strides = array<i32>} : memref<16x1024xf32, #tpu.memory_space<vmem>>, vector<1x16xf32>,
          %swap3A_231 = vector.shape_cast %swap3A_230 : vector<1x16xf32> to vector<16xf32>
          %swap3A_232 = vector.shape_cast %add3A_226 : vector<16xf32> to vector<1x16xf32>
          tpu.vector_store %arg10[%swap3A, %swap3A_229], %swap3A_232 {strides = array<i32>} : memref<16x1024xf32, #tpu.memory_space<vmem>>, vector<1x16xf32>,
          %add3A_233 = arith.addf %scan3A_212, %add3A_226 : vector<16xf32>
          %mul3A_234 = arith.mulf %add3A_226, %add3A_226 : vector<16xf32>
          %add3A_235 = arith.addf %scan3A_213, %mul3A_234 : vector<16xf32>
          scf.yield %add3A_233, %add3A_235 : vector<16xf32>, vector<16xf32>
        }
        %scan3A_38 = arith.constant 64 : i32
        %iota3A = tpu.iota {dimensions = array<i32: 0>} : vector<16xi32>
        %xor3A = arith.constant 8 : i32
        %xor3A_39 = vector.broadcast %xor3A : i32 to vector<16xi32>
        %xor3A_40 = arith.xori %iota3A, %xor3A_39 : vector<16xi32>
        %lt3A = arith.constant 0 : i32
        %lt3A_41 = vector.broadcast %lt3A : i32 to vector<16xi32>
        %lt3A_42 = arith.cmpi slt, %xor3A_40, %lt3A_41 : vector<16xi32>
        %add3A_43 = arith.constant 16 : i32
        %add3A_44 = vector.broadcast %add3A_43 : i32 to vector<16xi32>
        %add3A_45 = arith.addi %xor3A_40, %add3A_44 : vector<16xi32>
        %select_n3A = arith.select %lt3A_42, %add3A_45, %xor3A_40 : vector<16xi1>, vector<16xi32>
        %broadcast_in_dim3A_46 = vector.shape_cast %select_n3A : vector<16xi32> to vector<16x1xi32>
        %gather3A = vector.shape_cast %broadcast_in_dim3A_46 : vector<16x1xi32> to vector<16xi32>
        %gather3A_47 = tpu.dynamic_gather %scan3A_37#0[%gather3A] in [0] : vector<16xf32>, vector<16xi32> -> vector<16xf32>
        %add3A_48 = arith.addf %scan3A_37#0, %gather3A_47 : vector<16xf32>
        %xor3A_49 = arith.constant 4 : i32
        %xor3A_50 = vector.broadcast %xor3A_49 : i32 to vector<16xi32>
        %xor3A_51 = arith.xori %iota3A, %xor3A_50 : vector<16xi32>
        %lt3A_52 = arith.constant 0 : i32
        %lt3A_53 = vector.broadcast %lt3A_52 : i32 to vector<16xi32>
        %lt3A_54 = arith.cmpi slt, %xor3A_51, %lt3A_53 : vector<16xi32>
        %add3A_55 = arith.constant 16 : i32
        %add3A_56 = vector.broadcast %add3A_55 : i32 to vector<16xi32>
        %add3A_57 = arith.addi %xor3A_51, %add3A_56 : vector<16xi32>
        %select_n3A_58 = arith.select %lt3A_54, %add3A_57, %xor3A_51 : vector<16xi1>, vector<16xi32>
        %broadcast_in_dim3A_59 = vector.shape_cast %select_n3A_58 : vector<16xi32> to vector<16x1xi32>
        %gather3A_60 = vector.shape_cast %broadcast_in_dim3A_59 : vector<16x1xi32> to vector<16xi32>
        %gather3A_61 = tpu.dynamic_gather %add3A_48[%gather3A_60] in [0] : vector<16xf32>, vector<16xi32> -> vector<16xf32>
        %add3A_62 = arith.addf %add3A_48, %gather3A_61 : vector<16xf32>
        %xor3A_63 = arith.constant 2 : i32
        %xor3A_64 = vector.broadcast %xor3A_63 : i32 to vector<16xi32>
        %xor3A_65 = arith.xori %iota3A, %xor3A_64 : vector<16xi32>
        %lt3A_66 = arith.constant 0 : i32
        %lt3A_67 = vector.broadcast %lt3A_66 : i32 to vector<16xi32>
        %lt3A_68 = arith.cmpi slt, %xor3A_65, %lt3A_67 : vector<16xi32>
        %add3A_69 = arith.constant 16 : i32
        %add3A_70 = vector.broadcast %add3A_69 : i32 to vector<16xi32>
        %add3A_71 = arith.addi %xor3A_65, %add3A_70 : vector<16xi32>
        %select_n3A_72 = arith.select %lt3A_68, %add3A_71, %xor3A_65 : vector<16xi1>, vector<16xi32>
        %broadcast_in_dim3A_73 = vector.shape_cast %select_n3A_72 : vector<16xi32> to vector<16x1xi32>
        %gather3A_74 = vector.shape_cast %broadcast_in_dim3A_73 : vector<16x1xi32> to vector<16xi32>
        %gather3A_75 = tpu.dynamic_gather %add3A_62[%gather3A_74] in [0] : vector<16xf32>, vector<16xi32> -> vector<16xf32>
        %add3A_76 = arith.addf %add3A_62, %gather3A_75 : vector<16xf32>
        %xor3A_77 = arith.constant 1 : i32
        %xor3A_78 = vector.broadcast %xor3A_77 : i32 to vector<16xi32>
        %xor3A_79 = arith.xori %iota3A, %xor3A_78 : vector<16xi32>
        %lt3A_80 = arith.constant 0 : i32
        %lt3A_81 = vector.broadcast %lt3A_80 : i32 to vector<16xi32>
        %lt3A_82 = arith.cmpi slt, %xor3A_79, %lt3A_81 : vector<16xi32>
        %add3A_83 = arith.constant 16 : i32
        %add3A_84 = vector.broadcast %add3A_83 : i32 to vector<16xi32>
        %add3A_85 = arith.addi %xor3A_79, %add3A_84 : vector<16xi32>
        %select_n3A_86 = arith.select %lt3A_82, %add3A_85, %xor3A_79 : vector<16xi1>, vector<16xi32>
        %broadcast_in_dim3A_87 = vector.shape_cast %select_n3A_86 : vector<16xi32> to vector<16x1xi32>
        %gather3A_88 = vector.shape_cast %broadcast_in_dim3A_87 : vector<16x1xi32> to vector<16xi32>
        %gather3A_89 = tpu.dynamic_gather %add3A_76[%gather3A_88] in [0] : vector<16xf32>, vector<16xi32> -> vector<16xf32>
        %add3A_90 = arith.addf %add3A_76, %gather3A_89 : vector<16xf32>
        %mul3A_91 = arith.constant 9.765625E-4 : f32
        %mul3A_92 = vector.broadcast %mul3A_91 : f32 to vector<16xf32>
        %mul3A_93 = arith.mulf %add3A_90, %mul3A_92 : vector<16xf32>
        %iota3A_94 = tpu.iota {dimensions = array<i32: 0>} : vector<16xi32>
        %xor3A_95 = arith.constant 8 : i32
        %xor3A_96 = vector.broadcast %xor3A_95 : i32 to vector<16xi32>
        %xor3A_97 = arith.xori %iota3A_94, %xor3A_96 : vector<16xi32>
        %lt3A_98 = arith.constant 0 : i32
        %lt3A_99 = vector.broadcast %lt3A_98 : i32 to vector<16xi32>
        %lt3A_100 = arith.cmpi slt, %xor3A_97, %lt3A_99 : vector<16xi32>
        %add3A_101 = arith.constant 16 : i32
        %add3A_102 = vector.broadcast %add3A_101 : i32 to vector<16xi32>
        %add3A_103 = arith.addi %xor3A_97, %add3A_102 : vector<16xi32>
        %select_n3A_104 = arith.select %lt3A_100, %add3A_103, %xor3A_97 : vector<16xi1>, vector<16xi32>
        %broadcast_in_dim3A_105 = vector.shape_cast %select_n3A_104 : vector<16xi32> to vector<16x1xi32>
        %gather3A_106 = vector.shape_cast %broadcast_in_dim3A_105 : vector<16x1xi32> to vector<16xi32>
        %gather3A_107 = tpu.dynamic_gather %scan3A_37#1[%gather3A_106] in [0] : vector<16xf32>, vector<16xi32> -> vector<16xf32>
        %add3A_108 = arith.addf %scan3A_37#1, %gather3A_107 : vector<16xf32>
        %xor3A_109 = arith.constant 4 : i32
        %xor3A_110 = vector.broadcast %xor3A_109 : i32 to vector<16xi32>
        %xor3A_111 = arith.xori %iota3A_94, %xor3A_110 : vector<16xi32>
        %lt3A_112 = arith.constant 0 : i32
        %lt3A_113 = vector.broadcast %lt3A_112 : i32 to vector<16xi32>
        %lt3A_114 = arith.cmpi slt, %xor3A_111, %lt3A_113 : vector<16xi32>
        %add3A_115 = arith.constant 16 : i32
        %add3A_116 = vector.broadcast %add3A_115 : i32 to vector<16xi32>
        %add3A_117 = arith.addi %xor3A_111, %add3A_116 : vector<16xi32>
        %select_n3A_118 = arith.select %lt3A_114, %add3A_117, %xor3A_111 : vector<16xi1>, vector<16xi32>
        %broadcast_in_dim3A_119 = vector.shape_cast %select_n3A_118 : vector<16xi32> to vector<16x1xi32>
        %gather3A_120 = vector.shape_cast %broadcast_in_dim3A_119 : vector<16x1xi32> to vector<16xi32>
        %gather3A_121 = tpu.dynamic_gather %add3A_108[%gather3A_120] in [0] : vector<16xf32>, vector<16xi32> -> vector<16xf32>
        %add3A_122 = arith.addf %add3A_108, %gather3A_121 : vector<16xf32>
        %xor3A_123 = arith.constant 2 : i32
        %xor3A_124 = vector.broadcast %xor3A_123 : i32 to vector<16xi32>
        %xor3A_125 = arith.xori %iota3A_94, %xor3A_124 : vector<16xi32>
        %lt3A_126 = arith.constant 0 : i32
        %lt3A_127 = vector.broadcast %lt3A_126 : i32 to vector<16xi32>
        %lt3A_128 = arith.cmpi slt, %xor3A_125, %lt3A_127 : vector<16xi32>
        %add3A_129 = arith.constant 16 : i32
        %add3A_130 = vector.broadcast %add3A_129 : i32 to vector<16xi32>
        %add3A_131 = arith.addi %xor3A_125, %add3A_130 : vector<16xi32>
        %select_n3A_132 = arith.select %lt3A_128, %add3A_131, %xor3A_125 : vector<16xi1>, vector<16xi32>
        %broadcast_in_dim3A_133 = vector.shape_cast %select_n3A_132 : vector<16xi32> to vector<16x1xi32>
        %gather3A_134 = vector.shape_cast %broadcast_in_dim3A_133 : vector<16x1xi32> to vector<16xi32>
        %gather3A_135 = tpu.dynamic_gather %add3A_122[%gather3A_134] in [0] : vector<16xf32>, vector<16xi32> -> vector<16xf32>
        %add3A_136 = arith.addf %add3A_122, %gather3A_135 : vector<16xf32>
        %xor3A_137 = arith.constant 1 : i32
        %xor3A_138 = vector.broadcast %xor3A_137 : i32 to vector<16xi32>
        %xor3A_139 = arith.xori %iota3A_94, %xor3A_138 : vector<16xi32>
        %lt3A_140 = arith.constant 0 : i32
        %lt3A_141 = vector.broadcast %lt3A_140 : i32 to vector<16xi32>
        %lt3A_142 = arith.cmpi slt, %xor3A_139, %lt3A_141 : vector<16xi32>
        %add3A_143 = arith.constant 16 : i32
        %add3A_144 = vector.broadcast %add3A_143 : i32 to vector<16xi32>
        %add3A_145 = arith.addi %xor3A_139, %add3A_144 : vector<16xi32>
        %select_n3A_146 = arith.select %lt3A_142, %add3A_145, %xor3A_139 : vector<16xi1>, vector<16xi32>
        %broadcast_in_dim3A_147 = vector.shape_cast %select_n3A_146 : vector<16xi32> to vector<16x1xi32>
        %gather3A_148 = vector.shape_cast %broadcast_in_dim3A_147 : vector<16x1xi32> to vector<16xi32>
        %gather3A_149 = tpu.dynamic_gather %add3A_136[%gather3A_148] in [0] : vector<16xf32>, vector<16xi32> -> vector<16xf32>
        %add3A_150 = arith.addf %add3A_136, %gather3A_149 : vector<16xf32>
        %mul3A_151 = arith.constant 9.765625E-4 : f32
        %mul3A_152 = vector.broadcast %mul3A_151 : f32 to vector<16xf32>
        %mul3A_153 = arith.mulf %add3A_150, %mul3A_152 : vector<16xf32>
        %mul3A_154 = arith.mulf %mul3A_93, %mul3A_93 : vector<16xf32>
        %sub3A = arith.subf %mul3A_153, %mul3A_154 : vector<16xf32>
        %add3A_155 = arith.constant 1.000000e-07 : f32
        %add3A_156 = vector.broadcast %add3A_155 : f32 to vector<16xf32>
        %add3A_157 = arith.addf %sub3A, %add3A_156 : vector<16xf32>
        %bitcast_convert_type3A = tpu.bitcast %add3A_157 : vector<16xf32> -> vector<16xi32>
        %shift_right_arithmetic3A = arith.constant 1 : i32
        %shift_right_arithmetic3A_158 = vector.broadcast %shift_right_arithmetic3A : i32 to vector<16xi32>
        %shift_right_arithmetic3A_159 = arith.shrsi %bitcast_convert_type3A, %shift_right_arithmetic3A_158 : vector<16xi32>
        %sub3A_160 = arith.constant 1597463007 : i32
        %sub3A_161 = vector.broadcast %sub3A_160 : i32 to vector<16xi32>
        %sub3A_162 = arith.subi %sub3A_161, %shift_right_arithmetic3A_159 : vector<16xi32>
        %bitcast_convert_type3A_163 = tpu.bitcast %sub3A_162 : vector<16xi32> -> vector<16xf32>
        %mul3A_164 = arith.constant 5.000000e-01 : f32
        %mul3A_165 = vector.broadcast %mul3A_164 : f32 to vector<16xf32>
        %mul3A_166 = arith.mulf %mul3A_165, %add3A_157 : vector<16xf32>
        %mul3A_167 = arith.mulf %mul3A_166, %bitcast_convert_type3A_163 : vector<16xf32>
        %mul3A_168 = arith.mulf %mul3A_167, %bitcast_convert_type3A_163 : vector<16xf32>
        %sub3A_169 = arith.constant 1.500000e+00 : f32
        %sub3A_170 = vector.broadcast %sub3A_169 : f32 to vector<16xf32>
        %sub3A_171 = arith.subf %sub3A_170, %mul3A_168 : vector<16xf32>
        %mul3A_172 = arith.mulf %bitcast_convert_type3A_163, %sub3A_171 : vector<16xf32>
        %mul3A_173 = arith.constant 5.000000e-01 : f32
        %mul3A_174 = vector.broadcast %mul3A_173 : f32 to vector<16xf32>
        %mul3A_175 = arith.mulf %mul3A_174, %add3A_157 : vector<16xf32>
        %mul3A_176 = arith.mulf %mul3A_175, %mul3A_172 : vector<16xf32>
        %mul3A_177 = arith.mulf %mul3A_176, %mul3A_172 : vector<16xf32>
        %sub3A_178 = arith.constant 1.500000e+00 : f32
        %sub3A_179 = vector.broadcast %sub3A_178 : f32 to vector<16xf32>
        %sub3A_180 = arith.subf %sub3A_179, %mul3A_177 : vector<16xf32>
        %mul3A_181 = arith.mulf %mul3A_172, %sub3A_180 : vector<16xf32>
        %mul3A_182 = arith.constant 5.000000e-01 : f32
        %mul3A_183 = vector.broadcast %mul3A_182 : f32 to vector<16xf32>
        %mul3A_184 = arith.mulf %mul3A_183, %add3A_157 : vector<16xf32>
        %mul3A_185 = arith.mulf %mul3A_184, %mul3A_181 : vector<16xf32>
        %mul3A_186 = arith.mulf %mul3A_185, %mul3A_181 : vector<16xf32>
        %sub3A_187 = arith.constant 1.500000e+00 : f32
        %sub3A_188 = vector.broadcast %sub3A_187 : f32 to vector<16xf32>
        %sub3A_189 = arith.subf %sub3A_188, %mul3A_186 : vector<16xf32>
        %mul3A_190 = arith.mulf %mul3A_181, %sub3A_189 : vector<16xf32>
        %broadcast_in_dim3A_191 = vector.broadcast %scan3A_30 : i32 to vector<16xi32>
        %lt3A_192 = arith.constant 0 : i32
        %lt3A_193 = vector.broadcast %lt3A_192 : i32 to vector<16xi32>
        %lt3A_194 = arith.cmpi slt, %broadcast_in_dim3A_191, %lt3A_193 : vector<16xi32>
        %add3A_195 = arith.constant 16 : i32
        %add3A_196 = vector.broadcast %add3A_195 : i32 to vector<16xi32>
        %add3A_197 = arith.addi %broadcast_in_dim3A_191, %add3A_196 : vector<16xi32>
        %select_n3A_198 = arith.select %lt3A_194, %add3A_197, %broadcast_in_dim3A_191 : vector<16xi1>, vector<16xi32>
        %broadcast_in_dim3A_199 = vector.shape_cast %select_n3A_198 : vector<16xi32> to vector<16x1xi32>
        %gather3A_200 = vector.shape_cast %broadcast_in_dim3A_199 : vector<16x1xi32> to vector<16xi32>
        %gather3A_201 = tpu.dynamic_gather %get3A_21[%gather3A_200] in [0] : vector<16xf32>, vector<16xi32> -> vector<16xf32>
        %mul3A_202 = arith.mulf %mul3A_190, %gather3A_201 : vector<16xf32>
        %scan3A_203 = arith.constant 0 : i32
        %scan3A_204 = arith.constant 0 : i32
        %scan3A_205 = arith.constant 64 : i32
        %scan3A_206 = arith.addi %scan3A_204, %scan3A_205 : i32
        %scan3A_207 = arith.constant 1 : i32
        %scan3A_208 = scf.for %scan3A_211 = %scan3A_204 to %scan3A_206 step %scan3A_207 iter_args(%scan3A_212 = %scan3A_203) -> (i32)  : i32 {
          %mul3A_213 = arith.constant 16 : i32
          %mul3A_214 = arith.muli %scan3A_211, %mul3A_213 : i32
          %get3A_215 = arith.index_cast %scan3A_30 : i32 to index
          %get3A_216 = arith.index_cast %mul3A_214 : i32 to index
          %get3A_217 = tpu.vector_load %arg10[%get3A_215, %get3A_216] {strides = array<i32>} : memref<16x1024xf32, #tpu.memory_space<vmem>>, vector<1x16xf32>,
          %get3A_218 = vector.shape_cast %get3A_217 : vector<1x16xf32> to vector<16xf32>
          %mul3A_219 = arith.constant 16 : i32
          %mul3A_220 = arith.muli %scan3A_211, %mul3A_219 : i32
          %get3A_221 = arith.index_cast %mul3A_220 : i32 to index
          %get3A_222 = tpu.vector_load %arg13[%get3A_221] {strides = array<i32>} : memref<1024xf32, #tpu.memory_space<vmem>>, vector<16xf32>,
          %get3A_223 = vector.shape_cast %get3A_222 : vector<16xf32> to vector<16xf32>
          %mul3A_224 = arith.constant 16 : i32
          %mul3A_225 = arith.muli %scan3A_211, %mul3A_224 : i32
          %get3A_226 = arith.index_cast %mul3A_225 : i32 to index
          %get3A_227 = tpu.vector_load %arg14[%get3A_226] {strides = array<i32>} : memref<1024xf32, #tpu.memory_space<vmem>>, vector<16xf32>,
          %get3A_228 = vector.shape_cast %get3A_227 : vector<16xf32> to vector<16xf32>
          %sub3A_229 = arith.subf %get3A_218, %mul3A_93 : vector<16xf32>
          %mul3A_230 = arith.mulf %sub3A_229, %mul3A_202 : vector<16xf32>
          %mul3A_231 = arith.mulf %mul3A_230, %get3A_223 : vector<16xf32>
          %mul3A_232 = arith.mulf %get3A_228, %gather3A_201 : vector<16xf32>
          %add3A_233 = arith.addf %mul3A_231, %mul3A_232 : vector<16xf32>
          %mul3A_234 = arith.constant 16 : i32
          %mul3A_235 = arith.muli %scan3A_211, %mul3A_234 : i32
          %swap3A = arith.index_cast %scan3A_30 : i32 to index
          %swap3A_236 = arith.index_cast %mul3A_235 : i32 to index
          %swap3A_237 = tpu.vector_load %arg10[%swap3A, %swap3A_236] {strides = array<i32>} : memref<16x1024xf32, #tpu.memory_space<vmem>>, vector<1x16xf32>,
          %swap3A_238 = vector.shape_cast %swap3A_237 : vector<1x16xf32> to vector<16xf32>
          %swap3A_239 = vector.shape_cast %add3A_233 : vector<16xf32> to vector<1x16xf32>
          tpu.vector_store %arg10[%swap3A, %swap3A_236], %swap3A_239 {strides = array<i32>} : memref<16x1024xf32, #tpu.memory_space<vmem>>, vector<1x16xf32>,
          %scan3A_240 = arith.constant 0 : i32
          scf.yield %scan3A_240 : i32
        }
        %scan3A_209 = arith.constant 64 : i32
        %scan3A_210 = arith.constant 0 : i32
        scf.yield %scan3A_210 : i32
      }
      %scan3A_28 = arith.constant 16 : i32
      %add3A_29 = arith.addi %mul3A_2, %mul3A_11 : i32
      "tpu.region"() ({
        %run_scoped3A = tpu.sem_alloc : memref<!tpu.dma_semaphore, #tpu.memory_space<semaphore_mem>>
        %dma_start3A_30 = arith.constant 0 : i32
        %dma_start3A_31 = tpu.memref_slice %arg8[%add3A_29, %dma_start3A_30] : memref<8192x1024xf32, #tpu.memory_space<hbm>> -> memref<16x1024xf32, #tpu.memory_space<hbm>>
        %dma_start3A_32 = arith.constant 0 : i32
        %dma_start3A_33 = tpu.memref_slice %arg8[%add3A_29, %dma_start3A_32] : memref<8192x1024xf32, #tpu.memory_space<hbm>> -> memref<16x1024xf32, #tpu.memory_space<hbm>>
        tpu.enqueue_dma source(%arg10 : memref<16x1024xf32, #tpu.memory_space<vmem>>) target(%dma_start3A_33 : memref<16x1024xf32, #tpu.memory_space<hbm>>) target_semaphore(%run_scoped3A : memref<!tpu.dma_semaphore, #tpu.memory_space<semaphore_mem>>)
        %dma_wait3A_34 = arith.constant 0 : i32
        %dma_wait3A_35 = tpu.memref_slice %arg8[%add3A_29, %dma_wait3A_34] : memref<8192x1024xf32, #tpu.memory_space<hbm>> -> memref<16x1024xf32, #tpu.memory_space<hbm>>
        %dma_wait3A_36 = arith.constant 0 : i32
        %dma_wait3A_37 = tpu.memref_slice %arg8[%add3A_29, %dma_wait3A_36] : memref<8192x1024xf32, #tpu.memory_space<hbm>> -> memref<16x1024xf32, #tpu.memory_space<hbm>>
        tpu.wait_dma2 semaphore(%run_scoped3A : memref<!tpu.dma_semaphore, #tpu.memory_space<semaphore_mem>>) src(%arg10 : memref<16x1024xf32, #tpu.memory_space<vmem>>) dst(%dma_wait3A_37 : memref<16x1024xf32, #tpu.memory_space<hbm>>)
        tpu.yield
      }) : () -> ()
    }
    %scan3A_8 = arith.constant 16 : i32
    return
  }
}

</mosaic_0001>

<sc_bundles>
// kernel: kernel.3.cloned.1.call-start
scs
__scs_entry_jumppad:
0x0: {  	(pc) =	sbr.rel $0x88, $3  }
0x1: {  	(tag) =	ssettag $0x0;
	lr =	simm.s32 $0x1  }
0x2: {  	[smem:$0x3F9B] =	sst lr;
	_ =	strace $0xD0000000  }
0x3: {  	_ = 	snop  }
0x4: {  	_ = 	snop  }
0x5: {  	_ = 	snop  }
0x6: {  	_ = 	snop  }
0x7: {  	_ = 	snop  }
__scs_overlays_trampoline_lowered:
0x8: {  	[smem:$0x3FAA] =	sst s0  }
0x9: {  	[smem:$0x3FAB] =	sst s1  }
0xa: {  	[smem:$0x3FAC] =	sst s2  }
0xb: {  	[smem:$0x3FAD] =	sst s3  }
0xc: {  	[smem:$0x3FAE] =	sst s4  }
0xd: {  	[smem:$0x3FAF] =	sst s5  }
0xe: {  	[smem:$0x3FB0] =	sst s6  }
0xf: {  	[smem:$0x3FB1] =	sst s7  }
0x10: {  	[smem:$0x3FB2] =	sst s8  }
0x11: {  	[smem:$0x3FB3] =	sst s9;
	s0 =	simm.s32 @!p0 $0x0  }
0x12: {  	s1 =	sld [smem:$0x3F99];
	s0 =	simm.s32 @p0 $0x1  }
0x13: {  	[smem:$0x3FB4] =	sst s0;
	s0 =	simm.s32 @!p1 $0x0  }
0x14: {  	s2 =	sld [smem:$0x3F98];
	s0 =	simm.s32 @p1 $0x1  }
0x15: {  	[smem:$0x3FB5] =	sst s0;
	s0 =	simm.s32 @!p2 $0x0  }
0x16: {  	s3 =	sld [smem:$0x3FDB];
	s0 =	simm.s32 @p2 $0x1  }
0x17: {  	s4 =	simm.s32 $0x1BF5;
	[smem:$0x3FB7] =	sst s0  }
0x18: {  	s0 =	sld [smem:$0x3F9A];
	_ =	swait.ge [sflag:s4], $0x0  }
0x19: {  	s7 =	sld [smem:$0x3F9B]  }
0x1a: {  	s8 =	sadd.s32 $0xFFFFE003, lr  }
0x1b: {  	s9 =	sadd.s32 $0xFFFFFEF7, lr;
	s5 =	simm.s32 $0xFFFFFFFF;
	p2 =	slt.u32 s8, $0xFFFFF086  }
0x1c: {  	p1 =	slt.u32 s9, $0xF7A;
	s5 =	simm.s32 @!p2 $0x0  }
0x1d: {  	s5 =	simm.s32 @p1 $0x1;
	p0 =	seq.s32 s7, s2  }
0x1e: {  	s7 =	smul.u32 @!p0 $0xF7A, s2;
	p2 =	seq.s32 @!p0 s5, $0x0  }
0x1f: {  	s9 =	smul.u32 $0xF7A, s1;
	s8 =	simm.s32 @!p0 $0x1BF5;
	p2 =	por !p2, p0  }
0x20: {  	[sflag:s8] =	ssyncset.s32 @!p0 $0xFFFFF086;
	s6 =	sadd.s32 @!p0 s3, s7;
	s7 =	simm.s32 @!p0 $0x108  }
0x21: {  	s3 =	sadd.s32 s3, s9;
	s6 =	sadd.s32 @!p0 $0x88, s6;
	s7 =	simm.s32 @p2 $0x1082  }
0x22: {  	[simem:s7], [sflag:s8] =	dma.local @!p0 [hbm:s6], $0xF7A  }
0x23: {  	s9 =	sor.u32 $0xD0000000, s2;
	s6 =	simm.s32 $0x108;
	_ =	swait.ge @!p0 [sflag:s8], $0x0  }
0x24: {  	s3 =	sadd.s32 $0x88, s3;
	s6 =	simm.s32 @!p1 $0x1082;
	[sflag:s4] =	ssyncset.s32 $0xFFFFF086  }
0x25: {  	[simem:s6], [sflag:s4] =	dma.local [hbm:s3], $0xF7A  }
0x26: {  	[smem:$0x3F9B] =	sst s1;
	(tag) =	ssettag s2;
	_ =	strace s9  }
0x27: {  	s1 =	sld [smem:$0x3FAB]  }
0x28: {  	s2 =	sld [smem:$0x3FAC]  }
0x29: {  	s4 =	sld [smem:$0x3FAE]  }
0x2a: {  	p0 =	seq.s32 s5, $0x0;
	s5 =	sld [smem:$0x3FAF]  }
0x2b: {  	s6 =	sld [smem:$0x3FB0]  }
0x2c: {  	s7 =	sld [smem:$0x3FB1]  }
0x2d: {  	s3 =	simm.s32 $0x108;
	s8 =	sld [smem:$0x3FB2]  }
0x2e: {  	s3 =	simm.s32 @!p0 $0x1082;
	s9 =	sld [smem:$0x3FB3]  }
0x2f: {  	lr =	sadd.s32 s0, s3;
	s0 =	sld [smem:$0x3FAA]  }
0x30: {  	s3 =	sld [smem:$0x3FAD]  }
0x31: {  	[smem:$0x3FB6] =	sst s10  }
0x32: {  	s10 =	sld [smem:$0x3FB4];
	_ =	sdelay $0x3  }
0x33: {  	p0 =	seq.s32 s10, $0x1;
	s10 =	sld [smem:$0x3FB6];
	_ =	sdelay $0x3  }
0x34: {  	[smem:$0x3FB6] =	sst s10  }
0x35: {  	s10 =	sld [smem:$0x3FB5];
	_ =	sdelay $0x3  }
0x36: {  	p1 =	seq.s32 s10, $0x1;
	s10 =	sld [smem:$0x3FB6];
	_ =	sdelay $0x3  }
0x37: {  	[smem:$0x3FB6] =	sst s10  }
0x38: {  	s10 =	sld [smem:$0x3FB7]  }
0x39: {  	_ = 	snop;
	(pc) =	sbr.ind lr, $3  }
0x3a: {  	_ = 	snop  }
0x3b: {  	_ = 	snop  }
0x3c: {  	p2 =	seq.s32 s10, $0x1;
	s10 =	sld [smem:$0x3FB6]  }
0x3d: {  	_ =	shalt  }
0x3e: {  	_ =	shalt  }
0x3f: {  	_ =	shalt  }
0x40: {  	_ =	shalt  }
0x41: {  	_ =	shalt  }
0x42: {  	_ =	shalt  }
0x43: {  	_ =	shalt  }
0x44: {  	_ =	shalt  }
0x45: {  	_ =	shalt  }
0x46: {  	_ =	shalt  }
0x47: {  	_ =	shalt  }
0x48: {  	_ =	shalt  }
0x49: {  	_ =	shalt  }
0x4a: {  	_ =	shalt  }
0x4b: {  	_ =	shalt  }
0x4c: {  	_ =	shalt  }
0x4d: {  	_ =	shalt  }
0x4e: {  	_ =	shalt  }
0x4f: {  	_ =	shalt  }
0x50: {  	_ =	shalt  }
0x51: {  	_ =	shalt  }
0x52: {  	_ =	shalt  }
0x53: {  	_ =	shalt  }
0x54: {  	_ =	shalt  }
0x55: {  	_ =	shalt  }
0x56: {  	_ =	shalt  }
0x57: {  	_ =	shalt  }
0x58: {  	_ =	shalt  }
0x59: {  	_ =	shalt  }
0x5a: {  	_ =	shalt  }
0x5b: {  	_ =	shalt  }
0x5c: {  	_ =	shalt  }
0x5d: {  	_ =	shalt  }
0x5e: {  	_ =	shalt  }
0x5f: {  	_ =	shalt  }
0x60: {  	_ =	shalt  }
0x61: {  	_ =	shalt  }
0x62: {  	_ =	shalt  }
0x63: {  	_ =	shalt  }
0x64: {  	_ =	shalt  }
0x65: {  	_ =	shalt  }
0x66: {  	_ =	shalt  }
0x67: {  	_ =	shalt  }
0x68: {  	_ =	shalt  }
0x69: {  	_ =	shalt  }
0x6a: {  	_ =	shalt  }
0x6b: {  	_ =	shalt  }
0x6c: {  	_ =	shalt  }
0x6d: {  	_ =	shalt  }
0x6e: {  	_ =	shalt  }
0x6f: {  	_ =	shalt  }
0x70: {  	_ =	shalt  }
0x71: {  	_ =	shalt  }
0x72: {  	_ =	shalt  }
0x73: {  	_ =	shalt  }
0x74: {  	_ =	shalt  }
0x75: {  	_ =	shalt  }
0x76: {  	_ =	shalt  }
0x77: {  	_ =	shalt  }
0x78: {  	_ =	shalt  }
0x79: {  	_ =	shalt  }
0x7a: {  	_ =	shalt  }
0x7b: {  	_ =	shalt  }
0x7c: {  	_ =	shalt  }
0x7d: {  	_ =	shalt  }
0x7e: {  	_ =	shalt  }
0x7f: {  	_ =	shalt  }
0x80: {  	_ =	shalt  }
0x81: {  	_ =	shalt  }
0x82: {  	_ =	shalt  }
0x83: {  	_ =	shalt  }
0x84: {  	_ =	shalt  }
0x85: {  	_ =	shalt  }
0x86: {  	_ =	shalt  }
0x87: {  	_ =	shalt  }
.Lfunc_end0:
.L_simem_size_0:
called_computation_lowered:
.L_overlay_start_0:
0x88: {  	s2 =	sld [smem:$0x3FD9]  }
0x89: {  	s3 =	sld [smem:$0x3FFE];
	_ =	sdelay $0x1  }
0x8a: {  	s1 =	srdreg.scid  }
0x8b: {  	s0 =	sand.u32 $0x1, s1  }
0x8c: {  	s17 =	sshll.u32 s0, $0xA;
	s2 =	sadd.s32 s3, s2  }
0x8d: {  	s2 =	sadd.s32 s2, s17  }
0x8e: {  	[smem:$0x3FC2] =	sst s2  }
0x8f: {  	_ = 	snop  }
0x90: {  	s2 =	sld [smem:$0x3FC7]  }
0x91: {  	s18 =	sld [smem:$0x3FC6]  }
0x92: {  	s4 =	sld [smem:$0x3FC5]  }
0x93: {  	s5 =	sld [smem:$0x3FC4]  }
0x94: {  	s6 =	sld [smem:$0x3FD0];
	(tm) =	ssettm $0x1  }
0x95: {  	s7 =	sld [smem:$0x3FFB];
	_ =	sdelay $0x3  }
0x96: {  	_ =	strace s7  }
0x97: {  	s7 =	sld [smem:$0x3FFC];
	_ =	sdelay $0x3  }
0x98: {  	_ =	strace s7  }
0x99: {  	s7 =	sld [smem:$0x3FFD];
	_ =	sdelay $0x3  }
0x9a: {  	_ =	strace s7  }
0x9b: {  	_ =	strace $0x8FFFFFFF  }
0x9c: {  	s19 =	sld [smem:$0x3FDB];
	_ =	sdelay $0x1  }
0x9d: {  	s8 =	simm.s32 $_scs_section_size  }
0x9e: {  	s9 =	simm.s32 $_size__tile_overlayer_lowered;
	s10 =	simm.s32 $_tile_overlayer_lowered  }
0x9f: {  	s22 =	simm.s32 $0x1BFF;
	s21 =	sshll.u32 s10, $0x1;
	s7 =	sadd.s32 s8, s19  }
0xa0: {  	s11 =	simm.s32 $0x0;
	s20 =	sshll.u32 s9, $0x1;
	s9 =	sadd.s32 s21, s7  }
0xa1: {  	[timem:s11], [sflag:s22] =	dma.local [hbm:s9], s20  }
0xa2: {  	_ =	swait.ge [sflag:s22], s20  }
0xa3: {  	s8 =	ssub.s32 $0x0, s20;
	[sflag:s22] =	ssyncset.done $0x0  }
0xa4: {  	[sflag:s22] =	ssyncadd.s32 s8;
	_ =	sdelay $0x1  }
0xa5: {  	s23 =	simm.s32 $0x1B8B  }
0xa6: {  	_ =	swait.ge [sflag:s23], $0x1  }
0xa7: {  	[sflag:s23] =	ssyncset.done $0x0  }
0xa8: {  	s25 =	simm.s32 $0x1B8E;
	s24 =	sld [smem:$0x3FFE];
	[sflag:s23] =	ssyncadd.s32 $0xFFFFFFFF  }
0xa9: {  	s26 =	simm.s32 $execute0_lowered;
	[smem:$0x3FD2] =	sst s25  }
0xaa: {  	s9 =	sshll.u32 s26, $0x1;
	_ =	strace $0x80000046;
	[dreg:$0x1] =	wrdreg $0xFFFFFFFF  }
0xab: {  	s28 =	simm.s32 $_size_execute0_lowered;
	s7 =	sadd.s32 s7, s9;
	[dreg:$0x0] =	wrdreg $0x0  }
0xac: {  	s9 =	sshll.u32 s28, $0x1;
	[dreg:$0x2] =	wrdreg s7  }
0xad: {  	[dreg:$0x3] =	wrdreg s9  }
0xae: {  	[dreg:$0x4] =	wrdreg $0xC0  }
0xaf: {  	_ =	task [dreg:s11], $0x5FFFF  }
0xb0: {  	[dreg:$0x1] =	wrdreg $0xFFFFFFFF  }
0xb1: {  	[dreg:$0x0] =	wrdreg $0x60  }
0xb2: {  	[dreg:$0x2] =	wrdreg s24  }
0xb3: {  	[dreg:$0x3] =	wrdreg s2  }
0xb4: {  	[dreg:$0x4] =	wrdreg s18  }
0xb5: {  	[dreg:$0x5] =	wrdreg s4  }
0xb6: {  	[dreg:$0x6] =	wrdreg s5  }
0xb7: {  	[dreg:$0x7] =	wrdreg s6  }
0xb8: {  	[dreg:$0x8] =	wrdreg $0x9  }
0xb9: {  	_ =	task.clear_ibuf [dreg:s11], $0x9FFFF;
	_ =	strace $0x90000046  }
0xba: {  	s29 =	simm.s32 $0x9;
	_ =	strace $0x80000048  }
0xbb: {  	_ =	swait.ge [sflag:s29], $0x1  }
0xbc: {  	[sflag:s29] =	ssyncadd.s32 $0xFFFFFFFF  }
0xbd: {  	_ =	strace $0x90000048  }
0xbe: {  	_ =	sfence  }
0xbf: {  	s30 =	sld [smem:$0x0];
	_ =	sdelay $0x2  }
0xc0: {  	s31 =	sshll.u32 s1, $0xD;
	s1 =	sshrl.u32 s1, $0x2  }
0xc1: {  	s3 =	sand.u32 $0x4000, s31;
	s1 =	sadd.s32 s1, s30  }
0xc2: {  	s0 =	sor.u32 s3, s0;
	s1 =	sshll.u32 s1, $0x11  }
0xc3: {  	s0 =	sor.u32 s1, s0  }
0xc4: {  	s0 =	sadd.s32 $0x8F2B, s0  }
0xc5: {  	[sflag:s0] =	ssyncadd.remote.s32 $0x1  }
0xc6: {  	_ =	sfence.sel $0xFFFF  }
0xc7: {  	[dreg:$0x0] =	wrdreg $0xFFFFFFFF;
	(pc) =	sbr.abs _section_cstart, $3  }
0xc8: {  	[dreg:$0x1] =	wrdreg $0xFFFFFFFF  }
0xc9: {  	_ =	task.clear_ibuf [dreg:s11], $0x2FFFF;
	_ =	strace $0x9FFFFFFF  }
0xca: {  	(tm) =	ssettm $0x7FFFFFFF  }
0xcb: {  	_ =	shalt  }
tec
execute0_lowered:
.L_overlay_start_1:
0x0: {  	(tag) =	ssettag $0x1  }
0x1: {  	s1 =	rddreg [dreg:$0x0]  }
0x2: {  	s0 =	rddreg [dreg:$0x1];
	v0 =	vimm.s32 $0xBA98FEDC;
	v1 =	vimm.s32 $0x76543210;
	v2 =	vimm.s32 $0xFEDCBA98  }
0x3: {  	s2 =	srdreg.scid;
	s3 =	stileid.u32;
	s5 =	simm.s32 $0x0;
	v3 =	vimm.s32 $0x32107654;
	v4 =	vimm.s32 $0xDCFE98BA;
	v5 =	vimm.s32 $0x54761032  }
0x4: {  	v6 =	vimm.s32 $0xEFCDAB89;
	v7 =	vimm.s32 $0x67452301;
	s16 =	simm.s32 $0x2;
	s19 =	simm.s32 $0x100;
	s22 =	simm.s32 $0x1900  }
0x5: {  	s23 =	simm.s32 $0x2100;
	s24 =	simm.s32 $0x2900;
	vm0 =	vmmov $0xffff;
	s28 =	simm.s32 $0x1;
	v0 =	vunpack.c.l.s4.s8 v0;
	v3 =	vunpack.c.l.s4.s8 v3  }
0x6: {  	s29 =	simm.s32 $0x4100;
	s30 =	simm.s32 $0x8100;
	s21 =	simm.s32 $0x0;
	v1 =	vunpack.c.l.s4.s8 v1;
	v4 =	vunpack.c.l.s4.s8 v4;
	v5 =	vunpack.c.l.s4.s8 v5  }
0x7: {  	s6 =	simm.s32 $0x0;
	s2 =	sand.u32 $0x1, s2;
	s3 =	sshll.u32 s3, $0x9;
	v2 =	vunpack.c.l.s4.s8 v2;
	v0 =	vunpack.c.0.s8.s32 v0;
	v3 =	vunpack.c.0.s8.s32 v3  }
0x8: {  	[smem:$0x7FF] =	sst s5;
	s9 =	sadd.s32 $0x800, s1;
	v6 =	vunpack.c.l.s4.s8 v6;
	v7 =	vunpack.c.l.s4.s8 v7;
	s12 =	sadd.s32 $0x100, s0;
	v4 =	vunpack.c.0.s8.s32 v4  }
0x9: {  	s13 =	sadd.s32 $0x200, s0;
	s4 =	sshll.u32 s2, $0x8;
	s2 =	ssub.s32 $0x2, s2;
	v5 =	vunpack.c.0.s8.s32 v5;
	v2 =	vunpack.c.0.s8.s32 v2;
	v8 =	vcombine.low v3, v0  }
0xa: {  	s14 =	sadd.s32 $0x300, s0;
	s8 =	sor.u32 s4, s3;
	s25 =	sshrl.u32 s2, $0x1;
	v0 =	vunpack.c.0.s8.s32 v6;
	v3 =	vunpack.c.0.s8.s32 v7;
	v6 =	vlaneseq.u32  }
0xb: {  	_ =	strace $0x80000047;
	s3 =	sshrl.u32 s8, $0x3;
	s26 =	ssub.s32 s2, s25;
	v5 =	vcombine.low v5, v4;
	v7 =	vunpack.c.0.s8.s32 v1;
	v4 =	vshrl.u32 v6, $0x3  }
0xc: {  	s10 =	sand.u32 $0x700, s8;
	s3 =	sadd.s32 s3, s1;
	s1 =	smax.u32 s26, $0x1;
	v9 =	vcombine.low v3, v0;
	v0 =	vand.u32 $0x7, v6;
	v1 =	vmul.u32 $0x8, v4  }
0xd: {  	s25 =	simm.s32 $0x3100;
	s31 =	sadd.s32 $0x400, s3;
	[dreg:$0x8] =	wrdreg s1;
	v3 =	vand.u32 $0xF, v2;
	v2 =	vor.u32 $0x8, v6;
	v4 =	vand.u32 $0xF, v8  }
0xe: {  	s2 =	simm.s32 $0x0;
	s26 =	simm.s32 $0x3900;
	[dreg:$0x7] =	wrdreg s31;
	v5 =	vand.u32 $0xF, v5;
	v3 =	vcombine.low v3, v7;
	v6 =	vand.u32 $0xF, v9  }
.LBB2_1:
0xf: {  	[dreg:$0x9] =	wrdreg s2  }
0x10: {  	s17 =	simm.s32 $0x0;
	s1 =	rddreg [dreg:$0x7]  }
0x11: {  	[tilespmem:s17], [sflag:$0x2] =	stream.linear.gather [hbm4b:s1+s17], $0x100, $0x38;
	[tilespmem:$0x8980] =	vst v63  }
0x12: {  	_ =	swait.ge [sflag:s16], $0x100  }
0x13: {  	[sflag:s16] =	ssyncset.done $0x0  }
0x14: {  	[sflag:s16] =	ssyncadd.s32 $0xFFFFFF00  }
0x15: {  	s3 =	simm.s32 $0x8180;
	s18 =	rddreg [dreg:$0x3]  }
0x16: {  	[tilespmem:s3], [sflag:$0x2] =	stream.linear.gather [hbm4b:s18+s17], $0x400, $0x38;
	[tilespmem:$0x8980] =	vst v63  }
0x17: {  	_ =	swait.ge [sflag:s16], $0x400  }
0x18: {  	[sflag:s16] =	ssyncset.done $0x0  }
0x19: {  	[sflag:s16] =	ssyncadd.s32 $0xFFFFFC00  }
0x1a: {  	s31 =	simm.s32 $0x8580;
	s20 =	rddreg [dreg:$0x4]  }
0x1b: {  	[tilespmem:s31], [sflag:$0x2] =	stream.linear.gather [hbm4b:s20+s17], $0x400, $0x38;
	[tilespmem:$0x8980] =	vst v63  }
0x1c: {  	_ =	swait.ge [sflag:s16], $0x400  }
0x1d: {  	[sflag:s16] =	ssyncset.done $0x0  }
0x1e: {  	s3 =	simm.s32 $0x0;
	[sflag:s16] =	ssyncadd.s32 $0xFFFFFC00  }
.LBB2_2:
0x1f: {  	s1 =	sshll.u32 s3, $0x4  }
0x20: {  	v7 =	vld [tilespmem:s1+$0x0];
	_ =	sdelay $0x4  }
0x21: {  	v8 =	vshll.u32 v7, $0x3  }
0x22: {  	v7 =	vand.u32 $0x7, v7;
	v8 =	vand.u32 $0xFFFFFFC0, v8  }
0x23: {  	v7 =	vor.u32 v7, v8  }
0x24: {  	v8 =	vperm.xlane v7, v0;
	_ =	sdelay $0x1  }
0x25: {  	v8 =	vadd.s32 v1, v8;
	_ =	sdelay $0x4  }
0x26: {  	[tilespmem:s19], [sflag:$0x1] =	stream.indirect_vreg.gather [hbm4b:s0+s6], $0x80, v8, vm0, $0xb8;
	[tilespmem:$0x8980] =	vst v63  }
0x27: {  	s2 =	simm.s32 $0x900;
	v7 =	vperm.xlane v7, v2  }
0x28: {  	[tilespmem:s2], [sflag:$0x1] =	stream.indirect_vreg.gather [hbm4b:s12+s6], $0x80, v8, vm0, $0xb8;
	[tilespmem:$0x8980] =	vst v63  }
0x29: {  	s20 =	simm.s32 $0x1100;
	v7 =	vadd.s32 v1, v7  }
0x2a: {  	[tilespmem:s20], [sflag:$0x1] =	stream.indirect_vreg.gather [hbm4b:s13+s6], $0x80, v8, vm0, $0xb8;
	[tilespmem:$0x8980] =	vst v63  }
0x2b: {  	_ = 	snop  }
0x2c: {  	[tilespmem:s22], [sflag:$0x1] =	stream.indirect_vreg.gather [hbm4b:s14+s6], $0x80, v8, vm0, $0xb8;
	[tilespmem:$0x8980] =	vst v63  }
0x2d: {  	_ = 	snop  }
0x2e: {  	[tilespmem:s23], [sflag:$0x1] =	stream.indirect_vreg.gather [hbm4b:s0+s6], $0x80, v7, vm0, $0xb8;
	[tilespmem:$0x8980] =	vst v63  }
0x2f: {  	_ = 	snop  }
0x30: {  	[tilespmem:s24], [sflag:$0x1] =	stream.indirect_vreg.gather [hbm4b:s12+s6], $0x80, v7, vm0, $0xb8;
	[tilespmem:$0x8980] =	vst v63  }
0x31: {  	_ = 	snop  }
0x32: {  	[tilespmem:s25], [sflag:$0x1] =	stream.indirect_vreg.gather [hbm4b:s13+s6], $0x80, v7, vm0, $0xb8;
	[tilespmem:$0x8980] =	vst v63  }
0x33: {  	_ = 	snop  }
0x34: {  	[tilespmem:s26], [sflag:$0x1] =	stream.indirect_vreg.gather [hbm4b:s14+s6], $0x80, v7, vm0, $0xb8;
	[tilespmem:$0x8980] =	vst v63  }
0x35: {  	_ =	swait.ge [sflag:s28], $0x4000  }
0x36: {  	[sflag:s28] =	ssyncset.done $0x0  }
0x37: {  	s31 =	sadd.s32 s10, s1;
	[sflag:s28] =	ssyncadd.s32 $0xFFFFC000  }
0x38: {  	s2 =	sshll.u32 s31, $0x7;
	s4 =	rddreg [dreg:$0x2]  }
0x39: {  	s2 =	sadd.s32 s4, s2  }
0x3a: {  	[tilespmem:s29], [sflag:$0x2] =	stream.linear.gather [hbm4b:s2+s6], $0x4000, $0x38;
	[tilespmem:$0x8980] =	vst v63  }
0x3b: {  	s2 =	sor.u32 s8, s1;
	_ =	swait.ge [sflag:s16], $0x4000  }
0x3c: {  	s1 =	sshrl.u32 s2, $0x3;
	[sflag:s16] =	ssyncset.done $0x0  }
0x3d: {  	s1 =	sadd.s32 s9, s1;
	[sflag:s16] =	ssyncadd.s32 $0xFFFFC000  }
0x3e: {  	[tilespmem:s30], [sflag:$0x2] =	stream.linear.gather [hbm4b:s1+s6], $0x10, $0x38;
	[tilespmem:$0x8980] =	vst v63  }
0x3f: {  	_ =	swait.ge [sflag:s16], $0x10  }
0x40: {  	[sflag:s16] =	ssyncset.done $0x0  }
0x41: {  	[sflag:s16] =	ssyncadd.s32 $0xFFFFFFF0  }
0x42: {  	s4 =	simm.s32 $0x0;
	v7 =	vld [tilespmem:$0x8100]  }
.LBB2_3:
0x43: {  	s1 =	sshll.u32 s4, $0xA  }
0x44: {  	s5 =	sand.u32 $0x1C00, s6;
	s1 =	sand.u32 $0x2000, s1  }
0x45: {  	s7 =	sshll.u32 s4, $0x7;
	s11 =	sand.u32 $0x70, s6;
	s5 =	sor.u32 s5, s1  }
0x46: {  	s17 =	sand.u32 $0x380, s7;
	s5 =	sor.u32 s11, s5  }
0x47: {  	s11 =	sor.u32 s17, s5  }
0x48: {  	v10 =	vld [tilespmem:s11+$0x4100]  }
0x49: {  	v11 =	vld [tilespmem:s11+$0x100];
	_ =	sdelay $0x1  }
0x4a: {  	v8 =	vimm.f32 $0.0e+00;
	s18 =	simm.s32 $0x20;
	s15 =	simm.s32 $0x80;
	v9 =	vimm.f32 $0.0e+00;
	s5 =	simm.s32 $0x10  }
.LBB2_4:
0x4b: {  	p0 =	sne.s32 s18, $0x3F0;
	s7 =	sand.u32 $0x1C00, s15  }
0x4c: {  	s31 =	sand.u32 $0x70, s5;
	s5 =	smov.u32 s18;
	s7 =	sor.u32 s7, s1  }
0x4d: {  	s7 =	sor.u32 s31, s7;
	v11 =	vadd.f32 v10, v11  }
.Ltmp0:
0x4e: {  	s7 =	sor.u32 s17, s7;
	(pc) =	sbr.rel @p0 .LBB2_4-.Ltmp0, $4  }
0x4f: {  	v10 =	vld [tilespmem:s7+$0x4100];
	[tilespmem:s11+$0x100] =	vst v11;
	v8 =	vadd.f32 v11, v8;
	v12 =	vmul.f32 v11, v11;
	s11 =	smov.u32 s7  }
0x50: {  	v11 =	vld [tilespmem:s11+$0x100]  }
0x51: {  	v9 =	vadd.f32 v12, v9  }
0x52: {  	s18 =	sadd.s32 $0x10, s18;
	s15 =	sadd.s32 $0x80, s15  }
0x53: {  	s7 =	sand.u32 $0x1C00, s15  }
0x54: {  	s5 =	sand.u32 $0x70, s5;
	s1 =	sor.u32 s7, s1  }
0x55: {  	s1 =	sor.u32 s5, s1;
	v10 =	vadd.f32 v10, v11  }
0x56: {  	s1 =	sor.u32 s17, s1  }
0x57: {  	v11 =	vld [tilespmem:s1+$0x4100];
	[tilespmem:s11+$0x100] =	vst v10  }
0x58: {  	v12 =	vld [tilespmem:s1+$0x100];
	_ =	sdelay $0x4  }
0x59: {  	v8 =	vadd.f32 v10, v8;
	v10 =	vmul.f32 v10, v10;
	v11 =	vadd.f32 v11, v12;
	_ =	sdelay $0x1  }
0x5a: {  	v9 =	vadd.f32 v10, v9;
	v8 =	vadd.f32 v11, v8;
	v10 =	vmul.f32 v11, v11;
	_ =	sdelay $0x1  }
0x5b: {  	v9 =	vadd.f32 v10, v9;
	v10 =	vperm.xlane v8, v3;
	_ =	sdelay $0x1  }
0x5c: {  	v8 =	vadd.f32 v10, v8;
	v10 =	vperm.xlane v9, v3;
	_ =	sdelay $0x1  }
0x5d: {  	v12 =	vperm.xlane v8, v4;
	v9 =	vadd.f32 v10, v9;
	_ =	sdelay $0x1  }
0x5e: {  	v8 =	vadd.f32 v12, v8;
	v10 =	vperm.xlane v9, v4;
	_ =	sdelay $0x1  }
0x5f: {  	v12 =	vperm.xlane v8, v5;
	v9 =	vadd.f32 v10, v9;
	_ =	sdelay $0x1  }
0x60: {  	v8 =	vadd.f32 v12, v8;
	v10 =	vperm.xlane v9, v5;
	_ =	sdelay $0x1  }
0x61: {  	v12 =	vperm.xlane v8, v6;
	v9 =	vadd.f32 v10, v9;
	_ =	sdelay $0x1  }
0x62: {  	v8 =	vadd.f32 v12, v8;
	v10 =	vperm.xlane v9, v6;
	_ =	sdelay $0x1  }
0x63: {  	v8 =	vmul.f32 $9.765625000e-04, v8;
	v9 =	vadd.f32 v10, v9;
	_ =	sdelay $0x1  }
0x64: {  	v9 =	vmul.f32 $9.765625000e-04, v9;
	v10 =	vmul.f32 v8, v8;
	_ =	sdelay $0x1  }
0x65: {  	v9 =	vsub.f32 v9, v10;
	_ =	sdelay $0x1  }
0x66: {  	v9 =	vadd.f32 $1.000000010e-07, v9;
	_ =	sdelay $0x1  }
0x67: {  	v10 =	vshra.s32 v9, $0x1;
	v9 =	vmul.f32 $5.000000000e-01, v9  }
0x68: {  	v10 =	vsub.s32 $0x5F3759DF, v10  }
0x69: {  	v12 =	vmul.f32 v10, v9;
	_ =	sdelay $0x1  }
0x6a: {  	v12 =	vmul.f32 v10, v12;
	_ =	sdelay $0x1  }
0x6b: {  	v12 =	vsub.f32 $1.500000000e+00, v12;
	_ =	sdelay $0x1  }
0x6c: {  	v10 =	vmul.f32 v10, v12;
	_ =	sdelay $0x1  }
0x6d: {  	v12 =	vmul.f32 v10, v9;
	_ =	sdelay $0x1  }
0x6e: {  	v12 =	vmul.f32 v12, v10  }
0x6f: {  	s18 =	sand.u32 $0x8, s4  }
0x70: {  	s15 =	sadd.s32 $0x0, s18;
	v12 =	vsub.f32 $1.500000000e+00, v12  }
0x71: {  	s5 =	sshll.u32 s15, $0xA  }
0x72: {  	s17 =	sadd.s32 $0x100, s17;
	s5 =	sand.u32 $0x3FFFFC00, s5;
	s11 =	simm.s32 $0x0;
	v10 =	vmul.f32 v12, v10  }
0x73: {  	s5 =	sadd.s32 s5, s17;
	s20 =	sand.u32 $0x70, s11  }
0x74: {  	s15 =	sadd.s32 s20, s5;
	[tilespmem:s1+$0x100] =	vst v11;
	v9 =	vmul.f32 v10, v9  }
0x75: {  	v11 =	vld [tilespmem:s15+$0x0]  }
0x76: {  	v9 =	vmul.f32 v9, v10;
	_ =	sdelay $0x1  }
0x77: {  	v9 =	vsub.f32 $1.500000000e+00, v9  }
0x78: {  	s31 =	simm.s32 $0x8180;
	v12 =	vmov s4  }
0x79: {  	s1 =	simm.s32 $0x8580;
	v13 =	vsub.f32 v11, v8;
	v11 =	vld [tilespmem:s31+$0x0];
	v10 =	vmul.f32 v9, v10;
	v9 =	vperm.xlane v7, v12  }
0x7a: {  	v12 =	vld [tilespmem:s1+$0x0]  }
0x7b: {  	v10 =	vmul.f32 v10, v9;
	_ =	sdelay $0x1  }
0x7c: {  	v13 =	vmul.f32 v13, v10  }
0x7d: {  	s7 =	simm.s32 $0x0;
	s5 =	simm.s32 $0x2  }
.LBB2_6:
0x7e: {  	p0 =	sne.s32 s5, $0x3F;
	s7 =	sadd.s32 s18, s7;
	v11 =	vmul.f32 v13, v11;
	v12 =	vmul.f32 v12, v9  }
0x7f: {  	s7 =	sshll.u32 s7, $0xA  }
0x80: {  	s11 =	sadd.s32 $0x10, s11;
	s7 =	sand.u32 $0x3FFFFC00, s7;
	v11 =	vadd.f32 v12, v11  }
0x81: {  	s20 =	sand.u32 $0x70, s11;
	s7 =	sadd.s32 s7, s17  }
0x82: {  	[tilespmem:s15+$0x0] =	vst v11;
	s15 =	sadd.s32 s20, s7  }
0x83: {  	v13 =	vld [tilespmem:s15+$0x0];
	_ =	sdelay $0x1  }
0x84: {  	s31 =	sadd.s32 $0x10, s31  }
0x85: {  	s1 =	sadd.s32 $0x10, s1;
	v11 =	vld [tilespmem:s31+$0x0]  }
.Ltmp1:
0x86: {  	v12 =	vld [tilespmem:s1+$0x0];
	(pc) =	sbr.rel @p0 .LBB2_6-.Ltmp1, $3  }
0x87: {  	v13 =	vsub.f32 v13, v8;
	_ =	sdelay $0x1  }
0x88: {  	v13 =	vmul.f32 v13, v10  }
0x89: {  	s7 =	sshrl.u32 s5, $0x3;
	s5 =	sadd.s32 $0x1, s5  }
0x8a: {  	s5 =	sadd.s32 s18, s7;
	v11 =	vmul.f32 v13, v11;
	v12 =	vmul.f32 v12, v9  }
0x8b: {  	s5 =	sshll.u32 s5, $0xA  }
0x8c: {  	s20 =	sadd.s32 $0x10, s11;
	s5 =	sand.u32 $0x3FFFFC00, s5;
	v11 =	vadd.f32 v12, v11  }
0x8d: {  	s7 =	sand.u32 $0x70, s20;
	s5 =	sadd.s32 s5, s17  }
0x8e: {  	s5 =	sadd.s32 s7, s5;
	[tilespmem:s15+$0x0] =	vst v11  }
0x8f: {  	v11 =	vld [tilespmem:s5+$0x0];
	_ =	sdelay $0x1  }
0x90: {  	s31 =	sadd.s32 $0x10, s31  }
0x91: {  	s1 =	sadd.s32 $0x10, s1;
	v61 =	vld [tilespmem:s31+$0x0]  }
0x92: {  	v62 =	vld [tilespmem:s1+$0x0]  }
0x93: {  	v8 =	vsub.f32 v11, v8;
	_ =	sdelay $0x1  }
0x94: {  	s4 =	sadd.s32 $0x1, s4;
	v8 =	vmul.f32 v8, v10  }
0x95: {  	p0 =	sne.s32 s4, $0x10  }
.Ltmp2:
0x96: {  	v63 =	vmul.f32 v62, v9;
	v8 =	vmul.f32 v8, v61;
	(pc) =	sbr.rel @p0 .LBB2_3-.Ltmp2, $3  }
0x97: {  	_ = 	snop  }
0x98: {  	v8 =	vadd.f32 v63, v8;
	_ =	sdelay $0x1  }
0x99: {  	[tilespmem:s5+$0x0] =	vst v8  }
0x9a: {  	s3 =	sadd.s32 $0x1, s3  }
0x9b: {  	s1 =	sshll.u32 s2, $0x7;
	s31 =	rddreg [dreg:$0x5];
	p0 =	sne.s32 s3, $0x10  }
.Ltmp3:
0x9c: {  	s1 =	sadd.s32 s31, s1;
	(pc) =	sbr.rel @p0 .LBB2_2-.Ltmp3, $4  }
0x9d: {  	[hbm4b:s1+s21] =	stream.linear.scatter [tilespmem:s19], [sflag:$0x2], $0x4000, $0x38;
	[tilespmem:$0x8980] =	vst v63  }
0x9e: {  	_ =	swait.ge [sflag:s16], $0x4000  }
0x9f: {  	[sflag:s16] =	ssyncset.done $0x0  }
0xa0: {  	[sflag:s16] =	ssyncadd.s32 $0xFFFFC000  }
0xa1: {  	s2 =	rddreg [dreg:$0x9]  }
0xa2: {  	s1 =	rddreg [dreg:$0x8];
	s2 =	sadd.s32 $0x1, s2  }
0xa3: {  	p0 =	sne.s32 s2, s1  }
.Ltmp4:
0xa4: {  	_ = 	snop;
	(pc) =	sbr.rel @p0 .LBB2_1-.Ltmp4, $1  }
0xa5: {  	_ =	sdelay $0x3  }
0xa6: {  	_ =	sfence.sel $0x180000  }
0xa7: {  	[bflag:$0x0] =	sbarrier.arrive $0xFFFF  }
0xa8: {  	_ =	strace $0x90000047  }
0xa9: {  	s0 =	stileid.u32;
	[bflag:$0x2] =	sbarrier.arrive $0xFFFF  }
0xaa: {  	p0 =	sne.s32 s0, $0x0;
	s0 =	rddreg [dreg:$0x6]  }
0xab: {  	s0 =	sadd.s32 @!p0 $0x100000, s0  }
0xac: {  	[sflag:s0] =	ssyncadd.tile.s32 @!p0 $0x1;
	_ =	shalt  }
.Lfunc_end2:
_tile_overlayer_lowered:
.L_overlay_start_2:
0xad: {  	(tag) =	ssettag $0x2  }
0xae: {  	s0 =	rddreg [dreg:$0x0];
	s2 =	stileid.u32  }
0xaf: {  	s1 =	rddreg [dreg:$0x1];
	p0 =	sne.s32 s2, $0x0  }
0xb0: {  	s3 =	rddreg [dreg:$0x2];
	[bflag:$0x3] =	sbarrier.arrive $0xFFFF;
	s2 =	simm.s32 @!p0 $0x1C02  }
0xb1: {  	[timem:s3], [sflag:s2] =	dma.local @!p0 [hbm:s0], s1  }
0xb2: {  	s0 =	simm.s32 @!p0 $0x2  }
0xb3: {  	_ =	swait.ge @!p0 [sflag:s0], s1  }
0xb4: {  	s1 =	ssub.s32 @!p0 $0x0, s1;
	[sflag:s0] =	ssyncset.done @!p0 $0x0  }
0xb5: {  	[sflag:s0] =	ssyncadd.s32 @!p0 s1  }
0xb6: {  	[bflag:$0x3] =	sbarrier.arrive $0xFFFF  }
0xb7: {  	_ =	shalt  }

</sc_bundles>
